<compile_context>
chip_gen: v7x
topology: tpu7x:2x2x1
jax: 0.10.2.dev20260603
libtpu: 0.0.44.dev20260713+nightly
codegen_flags: <defaults>
</compile_context>

<pallas_src>
import functools

import jax
import jax.numpy as jnp
from jax import lax
from jax.experimental import pallas as pl
from jax.experimental.pallas import tpu as pltpu
from jax.experimental.pallas import tpu_sc as plsc

_NUM_CODES = 1024
_DIM = 64
_B = 16
_T = 4096
_TB = 2048

_NC = 2
_NS = 16
_NW = _NC * _NS
_D_PER_W = _DIM // 2


def _tc_kernel(z_ref, emb_ref, idx_ref, loss_ref, perp_ref,
               counts_acc, loss_acc, enorm_acc):
    b = pl.program_id(0)
    j = pl.program_id(1)
    emb = emb_ref[...]

    @pl.when(jnp.logical_and(b == 0, j == 0))
    def _init():
        counts_acc[...] = jnp.zeros_like(counts_acc)
        loss_acc[...] = jnp.zeros_like(loss_acc)
        enorm_acc[...] = jnp.sum(emb * emb, axis=1, keepdims=True)

    z = z_ref[0]

    scores = jax.lax.dot_general(
        emb, z, (((1,), (0,)), ((), ())),
        preferred_element_type=jnp.float32,
        precision=jax.lax.Precision.DEFAULT)
    z_norm = jnp.sum(z * z, axis=0, keepdims=True)
    dist = (z_norm + enorm_acc[...]) - 2.0 * scores

    m = jnp.min(dist, axis=0, keepdims=True)
    one_hot = (dist == m).astype(jnp.float32)

    iota_row = jax.lax.broadcasted_iota(
        jnp.int32, (1, _NUM_CODES), 1).astype(jnp.float32)
    idx_f = jax.lax.dot_general(
        iota_row, one_hot, (((1,), (0,)), ((), ())),
        preferred_element_type=jnp.float32,
        precision=jax.lax.Precision.HIGHEST)
    idx_ref[0] = idx_f.astype(jnp.int32)

    loss_acc[...] += jnp.sum(m, axis=1, keepdims=True)
    counts_acc[...] += jnp.sum(one_hot, axis=1, keepdims=True)

    @pl.when(jnp.logical_and(b == pl.num_programs(0) - 1,
                             j == pl.num_programs(1) - 1))
    def _fin():
        total = jnp.float32(_B * _T * _DIM)
        loss_ref[...] = loss_acc[...] / total
        avg = counts_acc[...] / jnp.float32(_B * _T)
        ent = jnp.sum(avg * jnp.log(avg + 1e-10), axis=0, keepdims=True)
        perp_ref[...] = jnp.exp(-ent)


def _sc_gather(emb_t_hbm, idx_hbm, out_hbm, cols_v, idx_v, row_v, sem):
    c = lax.axis_index("c")
    s = lax.axis_index("s")
    wid = s * _NC + c
    b = wid // 2
    d0 = (wid % 2) * _D_PER_W
    pltpu.sync_copy(emb_t_hbm.at[pl.ds(d0 * _NUM_CODES, _D_PER_W * _NUM_CODES)],
                    cols_v)
    pltpu.sync_copy(idx_hbm.at[b, 0], idx_v)

    def d_body(dd, _):
        def t_body(t, _):
            iv = idx_v[pl.ds(t * 16, 16)] + dd * _NUM_CODES
            row_v[pl.ds(t * 16, 16)] = plsc.load_gather(cols_v, [iv])
            return 0
        lax.fori_loop(0, _T // 16, t_body, 0, unroll=8)
        pltpu.sync_copy(row_v, out_hbm.at[b, d0 + dd])
        return 0

    lax.fori_loop(0, _D_PER_W, d_body, 0)


def kernel(z_e, embedding):
    grid = (_B, _T // _TB)
    idx, loss, perp = pl.pallas_call(
        _tc_kernel,
        grid=grid,
        in_specs=[
            pl.BlockSpec((1, _DIM, _TB), lambda b, j: (b, 0, j)),
            pl.BlockSpec((_NUM_CODES, _DIM), lambda b, j: (0, 0)),
        ],
        out_specs=[
            pl.BlockSpec((1, 1, _TB), lambda b, j: (b, 0, j)),
            pl.BlockSpec((1, 1), lambda b, j: (0, 0)),
            pl.BlockSpec((1, 1), lambda b, j: (0, 0)),
        ],
        out_shape=[
            jax.ShapeDtypeStruct((_B, 1, _T), jnp.int32),
            jax.ShapeDtypeStruct((1, 1), jnp.float32),
            jax.ShapeDtypeStruct((1, 1), jnp.float32),
        ],
        scratch_shapes=[
            pltpu.VMEM((_NUM_CODES, 1), jnp.float32),
            pltpu.VMEM((1, 1), jnp.float32),
            pltpu.VMEM((_NUM_CODES, 1), jnp.float32),
        ],
        compiler_params=pltpu.CompilerParams(
            dimension_semantics=("arbitrary", "arbitrary")),
    )(z_e, embedding)

    emb_t = embedding.T.reshape(-1)

    mesh = plsc.VectorSubcoreMesh(
        core_axis_name="c", subcore_axis_name="s",
        num_cores=_NC, num_subcores=_NS)
    zq = pl.kernel(
        _sc_gather,
        mesh=mesh,
        compiler_params=pltpu.CompilerParams(needs_layout_passes=False),
        out_type=jax.ShapeDtypeStruct((_B, _DIM, _T), jnp.float32),
        scratch_types=[
            pltpu.VMEM((_D_PER_W * _NUM_CODES,), jnp.float32),
            pltpu.VMEM((_T,), jnp.int32),
            pltpu.VMEM((_T,), jnp.float32),
            pltpu.SemaphoreType.DMA,
        ],
    )(emb_t, idx)

    return zq, loss[0, 0], perp[0, 0]

# --- scband reference (transcript-rebuilt; emitter-appended) ---
"""Pipeline reference for scband-brain-encoder-78761110274172 (READ-ONLY COPY).

The authoritative reference and input builder live on the scoring server;
editing this copy changes nothing except your own understanding.
"""

import jax, jax.numpy as jnp
import numpy as np

NUM_EMBEDS = 1024
EMBED_DIM = 64
ALPHA = 1.0
BETA = 0.25


def setup_inputs(seed: int = 0) -> dict:
    key = jax.random.key(seed)
    k1, k2 = jax.random.split(key)
    z_e = jax.random.normal(k1, (16, EMBED_DIM, 4096), dtype=jnp.float32)
    embedding = jax.random.normal(k2, (NUM_EMBEDS, EMBED_DIM), dtype=jnp.float32)
    return {"z_e": z_e, "embedding": embedding}


def reference(z_e, embedding):
    # z_e: (b, embed_dim, t') -> (b, t', embed_dim)
    z = jnp.transpose(z_e, (0, 2, 1))
    z_shape = z.shape
    z_flat = z.reshape(-1, EMBED_DIM)
    # squared L2 distances to every codebook vector
    distances = (
        jnp.sum(z_flat ** 2, axis=1, keepdims=True)
        + jnp.sum(embedding ** 2, axis=1)
        - 2.0 * jnp.matmul(z_flat, embedding.T)
    )
    encoding_indices = jnp.argmin(distances, axis=1)
    encodings = jax.nn.one_hot(encoding_indices, NUM_EMBEDS, dtype=z_flat.dtype)
    z_q = jnp.matmul(encodings, embedding).reshape(z_shape)
    # use_ema=False branch: both commitment and codebook losses
    e_latent_loss = jnp.mean((jax.lax.stop_gradient(z_q) - z) ** 2)
    q_latent_loss = jnp.mean((z_q - jax.lax.stop_gradient(z)) ** 2)
    vq_loss = ALPHA * ((1.0 - BETA) * q_latent_loss + BETA * e_latent_loss)
    # straight-through estimator
    z_q_st = z + jax.lax.stop_gradient(z_q - z)
    z_q_out = jnp.transpose(z_q_st, (0, 2, 1))
    avg_probs = jnp.mean(encodings, axis=0)
    perplexity = jnp.exp(-jnp.sum(avg_probs * jnp.log(avg_probs + 1e-10)))
    return (z_q_out, vq_loss, perplexity)

if __name__ == "__main__":
    import jax
    _d = setup_inputs()
    print(jax.jit(kernel)(*tuple(_d.values())))

</pallas_src>

<mosaic_0001>
#map = affine_map<(d0, d1) -> (0)>
#map1 = affine_map<(d0, d1) -> (0, 0, 0)>
module attributes {stable_mosaic.version = 14 : i64} {
  func.func @_sc_gather(%arg0: i32, %arg1: i32, %arg2: memref<65536xf32, #tpu.memory_space<hbm>>, %arg3: memref<16x1x4096xi32, #tpu.memory_space<hbm>>, %arg4: memref<16x64x4096xf32, #tpu.memory_space<hbm>>, %arg5: memref<32768xf32, #tpu.memory_space<vmem>>, %arg6: memref<4096xi32, #tpu.memory_space<vmem>>, %arg7: memref<4096xf32, #tpu.memory_space<vmem>>, %arg8: memref<!tpu.dma_semaphore, #tpu.memory_space<semaphore_mem>>) attributes {dimension_semantics = [#tpu.dimension_semantics<core_parallel>, #tpu.dimension_semantics<subcore_parallel>], iteration_bounds = array<i64: 2, 16>, scalar_prefetch = 0 : i64, scratch_operands = 4 : i64, tpu.core_type = #tpu.core_type<sc_vector_subcore>, window_params = [{transform_indices = #map}, {transform_indices = #map1}, {transform_indices = #map1}]} {
    %mul3A = arith.constant 2 : i32
    %mul3A_0 = arith.muli %arg1, %mul3A : i32
    %add3A = arith.addi %mul3A_0, %arg0 : i32
    %jit3A = arith.constant 2 : i32
    %div3A = arith.divsi %add3A, %jit3A : i32
    %sign3A = arith.constant 0 : i32
    %sign3A_1 = arith.cmpi sgt, %add3A, %sign3A : i32
    %sign3A_2 = arith.extui %sign3A_1 : i1 to i32
    %sign3A_3 = arith.constant 0 : i32
    %sign3A_4 = arith.cmpi slt, %add3A, %sign3A_3 : i32
    %sign3A_5 = arith.extui %sign3A_4 : i1 to i32
    %sign3A_6 = arith.subi %sign3A_2, %sign3A_5 : i32
    %sign3A_7 = arith.constant 0 : i32
    %sign3A_8 = arith.cmpi sgt, %jit3A, %sign3A_7 : i32
    %sign3A_9 = arith.extui %sign3A_8 : i1 to i32
    %sign3A_10 = arith.constant 0 : i32
    %sign3A_11 = arith.cmpi slt, %jit3A, %sign3A_10 : i32
    %sign3A_12 = arith.extui %sign3A_11 : i1 to i32
    %sign3A_13 = arith.subi %sign3A_9, %sign3A_12 : i32
    %ne3A = arith.cmpi ne, %sign3A_6, %sign3A_13 : i32
    %rem3A = arith.remsi %add3A, %jit3A : i32
    %ne3A_14 = arith.constant 0 : i32
    %ne3A_15 = arith.cmpi ne, %rem3A, %ne3A_14 : i32
    %and3A = arith.andi %ne3A, %ne3A_15 : i1
    %sub3A = arith.constant 1 : i32
    %sub3A_16 = arith.subi %div3A, %sub3A : i32
    %select_n3A = arith.select %and3A, %sub3A_16, %div3A : i32
    %jit3A_17 = arith.constant 2 : i32
    %eq3A = arith.constant 0 : i32
    %eq3A_18 = arith.cmpi eq, %jit3A_17, %eq3A : i32
    %jit3A_19 = arith.constant 1 : i32
    %select_n3A_20 = arith.select %eq3A_18, %jit3A_19, %jit3A_17 : i32
    %rem3A_21 = arith.remsi %add3A, %select_n3A_20 : i32
    %ne3A_22 = arith.constant 0 : i32
    %ne3A_23 = arith.cmpi ne, %rem3A_21, %ne3A_22 : i32
    %lt3A = arith.constant 0 : i32
    %lt3A_24 = arith.cmpi slt, %rem3A_21, %lt3A : i32
    %lt3A_25 = arith.constant 0 : i32
    %lt3A_26 = arith.cmpi slt, %select_n3A_20, %lt3A_25 : i32
    %ne3A_27 = arith.xori %lt3A_24, %lt3A_26 : i1
    %and3A_28 = arith.andi %ne3A_27, %ne3A_23 : i1
    %add3A_29 = arith.addi %rem3A_21, %select_n3A_20 : i32
    %select_n3A_30 = arith.select %and3A_28, %add3A_29, %rem3A_21 : i32
    %mul3A_31 = arith.constant 32 : i32
    %mul3A_32 = arith.muli %select_n3A_30, %mul3A_31 : i32
    %mul3A_33 = arith.constant 1024 : i32
    %mul3A_34 = arith.muli %mul3A_32, %mul3A_33 : i32
    "tpu.region"() ({
      %run_scoped3A_41 = tpu.sem_alloc : memref<!tpu.dma_semaphore, #tpu.memory_space<semaphore_mem>>
      %dma_start3A = tpu.memref_slice %arg2[%mul3A_34] : memref<65536xf32, #tpu.memory_space<hbm>> -> memref<32768xf32, #tpu.memory_space<hbm>>
      %dma_start3A_42 = tpu.memref_slice %arg2[%mul3A_34] : memref<65536xf32, #tpu.memory_space<hbm>> -> memref<32768xf32, #tpu.memory_space<hbm>>
      tpu.enqueue_dma source(%dma_start3A_42 : memref<32768xf32, #tpu.memory_space<hbm>>) target(%arg5 : memref<32768xf32, #tpu.memory_space<vmem>>) target_semaphore(%run_scoped3A_41 : memref<!tpu.dma_semaphore, #tpu.memory_space<semaphore_mem>>)
      %dma_wait3A = tpu.memref_slice %arg2[%mul3A_34] : memref<65536xf32, #tpu.memory_space<hbm>> -> memref<32768xf32, #tpu.memory_space<hbm>>
      %dma_wait3A_43 = tpu.memref_slice %arg2[%mul3A_34] : memref<65536xf32, #tpu.memory_space<hbm>> -> memref<32768xf32, #tpu.memory_space<hbm>>
      tpu.wait_dma2 semaphore(%run_scoped3A_41 : memref<!tpu.dma_semaphore, #tpu.memory_space<semaphore_mem>>) src(%dma_wait3A_43 : memref<32768xf32, #tpu.memory_space<hbm>>) dst(%arg5 : memref<32768xf32, #tpu.memory_space<vmem>>)
      tpu.yield
    }) : () -> ()
    %run_scoped3A = arith.constant 0 : i32
    "tpu.region"() ({
      %run_scoped3A_41 = tpu.sem_alloc : memref<!tpu.dma_semaphore, #tpu.memory_space<semaphore_mem>>
      %dma_start3A = arith.constant 0 : i32
      %dma_start3A_42 = tpu.memref_slice %arg3[%select_n3A, %run_scoped3A, %dma_start3A] : memref<16x1x4096xi32, #tpu.memory_space<hbm>> -> memref<1x1x4096xi32, #tpu.memory_space<hbm>>
      %dma_start3A_43 = tpu.memref_squeeze %dma_start3A_42 : memref<1x1x4096xi32, #tpu.memory_space<hbm>> -> memref<4096xi32, #tpu.memory_space<hbm>>
      %dma_start3A_44 = arith.constant 0 : i32
      %dma_start3A_45 = tpu.memref_slice %arg3[%select_n3A, %run_scoped3A, %dma_start3A_44] : memref<16x1x4096xi32, #tpu.memory_space<hbm>> -> memref<1x1x4096xi32, #tpu.memory_space<hbm>>
      %dma_start3A_46 = tpu.memref_squeeze %dma_start3A_45 : memref<1x1x4096xi32, #tpu.memory_space<hbm>> -> memref<4096xi32, #tpu.memory_space<hbm>>
      tpu.enqueue_dma source(%dma_start3A_46 : memref<4096xi32, #tpu.memory_space<hbm>>) target(%arg6 : memref<4096xi32, #tpu.memory_space<vmem>>) target_semaphore(%run_scoped3A_41 : memref<!tpu.dma_semaphore, #tpu.memory_space<semaphore_mem>>)
      %dma_wait3A = arith.constant 0 : i32
      %dma_wait3A_47 = tpu.memref_slice %arg3[%select_n3A, %run_scoped3A, %dma_wait3A] : memref<16x1x4096xi32, #tpu.memory_space<hbm>> -> memref<1x1x4096xi32, #tpu.memory_space<hbm>>
      %dma_wait3A_48 = tpu.memref_squeeze %dma_wait3A_47 : memref<1x1x4096xi32, #tpu.memory_space<hbm>> -> memref<4096xi32, #tpu.memory_space<hbm>>
      %dma_wait3A_49 = arith.constant 0 : i32
      %dma_wait3A_50 = tpu.memref_slice %arg3[%select_n3A, %run_scoped3A, %dma_wait3A_49] : memref<16x1x4096xi32, #tpu.memory_space<hbm>> -> memref<1x1x4096xi32, #tpu.memory_space<hbm>>
      %dma_wait3A_51 = tpu.memref_squeeze %dma_wait3A_50 : memref<1x1x4096xi32, #tpu.memory_space<hbm>> -> memref<4096xi32, #tpu.memory_space<hbm>>
      tpu.wait_dma2 semaphore(%run_scoped3A_41 : memref<!tpu.dma_semaphore, #tpu.memory_space<semaphore_mem>>) src(%dma_wait3A_51 : memref<4096xi32, #tpu.memory_space<hbm>>) dst(%arg6 : memref<4096xi32, #tpu.memory_space<vmem>>)
      tpu.yield
    }) : () -> ()
    %scan3A = arith.constant 0 : i32
    %scan3A_35 = arith.constant 0 : i32
    %scan3A_36 = arith.constant 32 : i32
    %scan3A_37 = arith.addi %scan3A_35, %scan3A_36 : i32
    %scan3A_38 = arith.constant 1 : i32
    %scan3A_39 = scf.for %scan3A_41 = %scan3A_35 to %scan3A_37 step %scan3A_38 iter_args(%scan3A_42 = %scan3A) -> (i32)  : i32 {
      %scan3A_43 = arith.constant 0 : i32
      %scan3A_44 = arith.constant 0 : i32
      %scan3A_45 = arith.constant 256 : i32
      %scan3A_46 = arith.addi %scan3A_44, %scan3A_45 : i32
      %scan3A_47 = arith.constant 8 : i32
      %scan3A_48 = scf.for %scan3A_52 = %scan3A_44 to %scan3A_46 step %scan3A_47 iter_args(%scan3A_53 = %scan3A_43) -> (i32)  : i32 {
        %mul3A_54 = arith.constant 16 : i32
        %mul3A_55 = arith.muli %scan3A_52, %mul3A_54 : i32
        %get3A = arith.index_cast %mul3A_55 : i32 to index
        %get3A_56 = tpu.vector_load %arg6[%get3A] {strides = array<i32>} : memref<4096xi32, #tpu.memory_space<vmem>>, vector<16xi32>,
        %mul3A_57 = arith.constant 1024 : i32
        %mul3A_58 = arith.muli %scan3A_41, %mul3A_57 : i32
        %add3A_59 = vector.broadcast %mul3A_58 : i32 to vector<16xi32>
        %add3A_60 = arith.addi %get3A_56, %add3A_59 : vector<16xi32>
        %gather3A = tpu.vector_load_idx %arg5[%add3A_60] : memref<32768xf32, #tpu.memory_space<vmem>>[vector<16xi32>], vector<16xf32>,
        %mul3A_61 = arith.constant 16 : i32
        %mul3A_62 = arith.muli %scan3A_52, %mul3A_61 : i32
        %swap3A = arith.index_cast %mul3A_62 : i32 to index
        %swap3A_63 = tpu.vector_load %arg7[%swap3A] {strides = array<i32>} : memref<4096xf32, #tpu.memory_space<vmem>>, vector<16xf32>,
        tpu.vector_store %arg7[%swap3A], %gather3A {strides = array<i32>} : memref<4096xf32, #tpu.memory_space<vmem>>, vector<16xf32>,
        %scan3A_64 = arith.constant 0 : i32
        %scan3A_65 = arith.constant 1 : i32
        %scan3A_66 = arith.addi %scan3A_52, %scan3A_65 : i32
        %mul3A_67 = arith.constant 16 : i32
        %mul3A_68 = arith.muli %scan3A_66, %mul3A_67 : i32
        %get3A_69 = arith.index_cast %mul3A_68 : i32 to index
        %get3A_70 = tpu.vector_load %arg6[%get3A_69] {strides = array<i32>} : memref<4096xi32, #tpu.memory_space<vmem>>, vector<16xi32>,
        %mul3A_71 = arith.constant 1024 : i32
        %mul3A_72 = arith.muli %scan3A_41, %mul3A_71 : i32
        %add3A_73 = vector.broadcast %mul3A_72 : i32 to vector<16xi32>
        %add3A_74 = arith.addi %get3A_70, %add3A_73 : vector<16xi32>
        %gather3A_75 = tpu.vector_load_idx %arg5[%add3A_74] : memref<32768xf32, #tpu.memory_space<vmem>>[vector<16xi32>], vector<16xf32>,
        %mul3A_76 = arith.constant 16 : i32
        %mul3A_77 = arith.muli %scan3A_66, %mul3A_76 : i32
        %swap3A_78 = arith.index_cast %mul3A_77 : i32 to index
        %swap3A_79 = tpu.vector_load %arg7[%swap3A_78] {strides = array<i32>} : memref<4096xf32, #tpu.memory_space<vmem>>, vector<16xf32>,
        tpu.vector_store %arg7[%swap3A_78], %gather3A_75 {strides = array<i32>} : memref<4096xf32, #tpu.memory_space<vmem>>, vector<16xf32>,
        %scan3A_80 = arith.constant 0 : i32
        %scan3A_81 = arith.constant 2 : i32
        %scan3A_82 = arith.addi %scan3A_52, %scan3A_81 : i32
        %mul3A_83 = arith.constant 16 : i32
        %mul3A_84 = arith.muli %scan3A_82, %mul3A_83 : i32
        %get3A_85 = arith.index_cast %mul3A_84 : i32 to index
        %get3A_86 = tpu.vector_load %arg6[%get3A_85] {strides = array<i32>} : memref<4096xi32, #tpu.memory_space<vmem>>, vector<16xi32>,
        %mul3A_87 = arith.constant 1024 : i32
        %mul3A_88 = arith.muli %scan3A_41, %mul3A_87 : i32
        %add3A_89 = vector.broadcast %mul3A_88 : i32 to vector<16xi32>
        %add3A_90 = arith.addi %get3A_86, %add3A_89 : vector<16xi32>
        %gather3A_91 = tpu.vector_load_idx %arg5[%add3A_90] : memref<32768xf32, #tpu.memory_space<vmem>>[vector<16xi32>], vector<16xf32>,
        %mul3A_92 = arith.constant 16 : i32
        %mul3A_93 = arith.muli %scan3A_82, %mul3A_92 : i32
        %swap3A_94 = arith.index_cast %mul3A_93 : i32 to index
        %swap3A_95 = tpu.vector_load %arg7[%swap3A_94] {strides = array<i32>} : memref<4096xf32, #tpu.memory_space<vmem>>, vector<16xf32>,
        tpu.vector_store %arg7[%swap3A_94], %gather3A_91 {strides = array<i32>} : memref<4096xf32, #tpu.memory_space<vmem>>, vector<16xf32>,
        %scan3A_96 = arith.constant 0 : i32
        %scan3A_97 = arith.constant 3 : i32
        %scan3A_98 = arith.addi %scan3A_52, %scan3A_97 : i32
        %mul3A_99 = arith.constant 16 : i32
        %mul3A_100 = arith.muli %scan3A_98, %mul3A_99 : i32
        %get3A_101 = arith.index_cast %mul3A_100 : i32 to index
        %get3A_102 = tpu.vector_load %arg6[%get3A_101] {strides = array<i32>} : memref<4096xi32, #tpu.memory_space<vmem>>, vector<16xi32>,
        %mul3A_103 = arith.constant 1024 : i32
        %mul3A_104 = arith.muli %scan3A_41, %mul3A_103 : i32
        %add3A_105 = vector.broadcast %mul3A_104 : i32 to vector<16xi32>
        %add3A_106 = arith.addi %get3A_102, %add3A_105 : vector<16xi32>
        %gather3A_107 = tpu.vector_load_idx %arg5[%add3A_106] : memref<32768xf32, #tpu.memory_space<vmem>>[vector<16xi32>], vector<16xf32>,
        %mul3A_108 = arith.constant 16 : i32
        %mul3A_109 = arith.muli %scan3A_98, %mul3A_108 : i32
        %swap3A_110 = arith.index_cast %mul3A_109 : i32 to index
        %swap3A_111 = tpu.vector_load %arg7[%swap3A_110] {strides = array<i32>} : memref<4096xf32, #tpu.memory_space<vmem>>, vector<16xf32>,
        tpu.vector_store %arg7[%swap3A_110], %gather3A_107 {strides = array<i32>} : memref<4096xf32, #tpu.memory_space<vmem>>, vector<16xf32>,
        %scan3A_112 = arith.constant 0 : i32
        %scan3A_113 = arith.constant 4 : i32
        %scan3A_114 = arith.addi %scan3A_52, %scan3A_113 : i32
        %mul3A_115 = arith.constant 16 : i32
        %mul3A_116 = arith.muli %scan3A_114, %mul3A_115 : i32
        %get3A_117 = arith.index_cast %mul3A_116 : i32 to index
        %get3A_118 = tpu.vector_load %arg6[%get3A_117] {strides = array<i32>} : memref<4096xi32, #tpu.memory_space<vmem>>, vector<16xi32>,
        %mul3A_119 = arith.constant 1024 : i32
        %mul3A_120 = arith.muli %scan3A_41, %mul3A_119 : i32
        %add3A_121 = vector.broadcast %mul3A_120 : i32 to vector<16xi32>
        %add3A_122 = arith.addi %get3A_118, %add3A_121 : vector<16xi32>
        %gather3A_123 = tpu.vector_load_idx %arg5[%add3A_122] : memref<32768xf32, #tpu.memory_space<vmem>>[vector<16xi32>], vector<16xf32>,
        %mul3A_124 = arith.constant 16 : i32
        %mul3A_125 = arith.muli %scan3A_114, %mul3A_124 : i32
        %swap3A_126 = arith.index_cast %mul3A_125 : i32 to index
        %swap3A_127 = tpu.vector_load %arg7[%swap3A_126] {strides = array<i32>} : memref<4096xf32, #tpu.memory_space<vmem>>, vector<16xf32>,
        tpu.vector_store %arg7[%swap3A_126], %gather3A_123 {strides = array<i32>} : memref<4096xf32, #tpu.memory_space<vmem>>, vector<16xf32>,
        %scan3A_128 = arith.constant 0 : i32
        %scan3A_129 = arith.constant 5 : i32
        %scan3A_130 = arith.addi %scan3A_52, %scan3A_129 : i32
        %mul3A_131 = arith.constant 16 : i32
        %mul3A_132 = arith.muli %scan3A_130, %mul3A_131 : i32
        %get3A_133 = arith.index_cast %mul3A_132 : i32 to index
        %get3A_134 = tpu.vector_load %arg6[%get3A_133] {strides = array<i32>} : memref<4096xi32, #tpu.memory_space<vmem>>, vector<16xi32>,
        %mul3A_135 = arith.constant 1024 : i32
        %mul3A_136 = arith.muli %scan3A_41, %mul3A_135 : i32
        %add3A_137 = vector.broadcast %mul3A_136 : i32 to vector<16xi32>
        %add3A_138 = arith.addi %get3A_134, %add3A_137 : vector<16xi32>
        %gather3A_139 = tpu.vector_load_idx %arg5[%add3A_138] : memref<32768xf32, #tpu.memory_space<vmem>>[vector<16xi32>], vector<16xf32>,
        %mul3A_140 = arith.constant 16 : i32
        %mul3A_141 = arith.muli %scan3A_130, %mul3A_140 : i32
        %swap3A_142 = arith.index_cast %mul3A_141 : i32 to index
        %swap3A_143 = tpu.vector_load %arg7[%swap3A_142] {strides = array<i32>} : memref<4096xf32, #tpu.memory_space<vmem>>, vector<16xf32>,
        tpu.vector_store %arg7[%swap3A_142], %gather3A_139 {strides = array<i32>} : memref<4096xf32, #tpu.memory_space<vmem>>, vector<16xf32>,
        %scan3A_144 = arith.constant 0 : i32
        %scan3A_145 = arith.constant 6 : i32
        %scan3A_146 = arith.addi %scan3A_52, %scan3A_145 : i32
        %mul3A_147 = arith.constant 16 : i32
        %mul3A_148 = arith.muli %scan3A_146, %mul3A_147 : i32
        %get3A_149 = arith.index_cast %mul3A_148 : i32 to index
        %get3A_150 = tpu.vector_load %arg6[%get3A_149] {strides = array<i32>} : memref<4096xi32, #tpu.memory_space<vmem>>, vector<16xi32>,
        %mul3A_151 = arith.constant 1024 : i32
        %mul3A_152 = arith.muli %scan3A_41, %mul3A_151 : i32
        %add3A_153 = vector.broadcast %mul3A_152 : i32 to vector<16xi32>
        %add3A_154 = arith.addi %get3A_150, %add3A_153 : vector<16xi32>
        %gather3A_155 = tpu.vector_load_idx %arg5[%add3A_154] : memref<32768xf32, #tpu.memory_space<vmem>>[vector<16xi32>], vector<16xf32>,
        %mul3A_156 = arith.constant 16 : i32
        %mul3A_157 = arith.muli %scan3A_146, %mul3A_156 : i32
        %swap3A_158 = arith.index_cast %mul3A_157 : i32 to index
        %swap3A_159 = tpu.vector_load %arg7[%swap3A_158] {strides = array<i32>} : memref<4096xf32, #tpu.memory_space<vmem>>, vector<16xf32>,
        tpu.vector_store %arg7[%swap3A_158], %gather3A_155 {strides = array<i32>} : memref<4096xf32, #tpu.memory_space<vmem>>, vector<16xf32>,
        %scan3A_160 = arith.constant 0 : i32
        %scan3A_161 = arith.constant 7 : i32
        %scan3A_162 = arith.addi %scan3A_52, %scan3A_161 : i32
        %mul3A_163 = arith.constant 16 : i32
        %mul3A_164 = arith.muli %scan3A_162, %mul3A_163 : i32
        %get3A_165 = arith.index_cast %mul3A_164 : i32 to index
        %get3A_166 = tpu.vector_load %arg6[%get3A_165] {strides = array<i32>} : memref<4096xi32, #tpu.memory_space<vmem>>, vector<16xi32>,
        %mul3A_167 = arith.constant 1024 : i32
        %mul3A_168 = arith.muli %scan3A_41, %mul3A_167 : i32
        %add3A_169 = vector.broadcast %mul3A_168 : i32 to vector<16xi32>
        %add3A_170 = arith.addi %get3A_166, %add3A_169 : vector<16xi32>
        %gather3A_171 = tpu.vector_load_idx %arg5[%add3A_170] : memref<32768xf32, #tpu.memory_space<vmem>>[vector<16xi32>], vector<16xf32>,
        %mul3A_172 = arith.constant 16 : i32
        %mul3A_173 = arith.muli %scan3A_162, %mul3A_172 : i32
        %swap3A_174 = arith.index_cast %mul3A_173 : i32 to index
        %swap3A_175 = tpu.vector_load %arg7[%swap3A_174] {strides = array<i32>} : memref<4096xf32, #tpu.memory_space<vmem>>, vector<16xf32>,
        tpu.vector_store %arg7[%swap3A_174], %gather3A_171 {strides = array<i32>} : memref<4096xf32, #tpu.memory_space<vmem>>, vector<16xf32>,
        %scan3A_176 = arith.constant 0 : i32
        scf.yield %scan3A_176 : i32
      }
      %scan3A_49 = arith.constant 256 : i32
      %add3A_50 = arith.addi %mul3A_32, %scan3A_41 : i32
      "tpu.region"() ({
        %run_scoped3A_52 = tpu.sem_alloc : memref<!tpu.dma_semaphore, #tpu.memory_space<semaphore_mem>>
        %dma_start3A = arith.constant 0 : i32
        %dma_start3A_53 = tpu.memref_slice %arg4[%select_n3A, %add3A_50, %dma_start3A] : memref<16x64x4096xf32, #tpu.memory_space<hbm>> -> memref<1x1x4096xf32, #tpu.memory_space<hbm>>
        %dma_start3A_54 = tpu.memref_squeeze %dma_start3A_53 : memref<1x1x4096xf32, #tpu.memory_space<hbm>> -> memref<4096xf32, #tpu.memory_space<hbm>>
        %dma_start3A_55 = arith.constant 0 : i32
        %dma_start3A_56 = tpu.memref_slice %arg4[%select_n3A, %add3A_50, %dma_start3A_55] : memref<16x64x4096xf32, #tpu.memory_space<hbm>> -> memref<1x1x4096xf32, #tpu.memory_space<hbm>>
        %dma_start3A_57 = tpu.memref_squeeze %dma_start3A_56 : memref<1x1x4096xf32, #tpu.memory_space<hbm>> -> memref<4096xf32, #tpu.memory_space<hbm>>
        tpu.enqueue_dma source(%arg7 : memref<4096xf32, #tpu.memory_space<vmem>>) target(%dma_start3A_57 : memref<4096xf32, #tpu.memory_space<hbm>>) target_semaphore(%run_scoped3A_52 : memref<!tpu.dma_semaphore, #tpu.memory_space<semaphore_mem>>)
        %dma_wait3A = arith.constant 0 : i32
        %dma_wait3A_58 = tpu.memref_slice %arg4[%select_n3A, %add3A_50, %dma_wait3A] : memref<16x64x4096xf32, #tpu.memory_space<hbm>> -> memref<1x1x4096xf32, #tpu.memory_space<hbm>>
        %dma_wait3A_59 = tpu.memref_squeeze %dma_wait3A_58 : memref<1x1x4096xf32, #tpu.memory_space<hbm>> -> memref<4096xf32, #tpu.memory_space<hbm>>
        %dma_wait3A_60 = arith.constant 0 : i32
        %dma_wait3A_61 = tpu.memref_slice %arg4[%select_n3A, %add3A_50, %dma_wait3A_60] : memref<16x64x4096xf32, #tpu.memory_space<hbm>> -> memref<1x1x4096xf32, #tpu.memory_space<hbm>>
        %dma_wait3A_62 = tpu.memref_squeeze %dma_wait3A_61 : memref<1x1x4096xf32, #tpu.memory_space<hbm>> -> memref<4096xf32, #tpu.memory_space<hbm>>
        tpu.wait_dma2 semaphore(%run_scoped3A_52 : memref<!tpu.dma_semaphore, #tpu.memory_space<semaphore_mem>>) src(%arg7 : memref<4096xf32, #tpu.memory_space<vmem>>) dst(%dma_wait3A_62 : memref<4096xf32, #tpu.memory_space<hbm>>)
        tpu.yield
      }) : () -> ()
      %scan3A_51 = arith.constant 0 : i32
      scf.yield %scan3A_51 : i32
    }
    %scan3A_40 = arith.constant 32 : i32
    return
  }
}

module attributes {stable_mosaic.version = 14 : i64} {
  func.func @_tc_kernel(%arg0: i32, %arg1: i32, %arg2: memref<1x64x2048xf32, #tpu.memory_space<vmem>>, %arg3: memref<1024x64xf32, #tpu.memory_space<vmem>>, %arg4: memref<1x1x2048xi32, #tpu.memory_space<vmem>>, %arg5: memref<1x1xf32, #tpu.memory_space<vmem>>, %arg6: memref<1x1xf32, #tpu.memory_space<vmem>>, %arg7: memref<1024x1xf32, #tpu.memory_space<vmem>>, %arg8: memref<1x1xf32, #tpu.memory_space<vmem>>, %arg9: memref<1024x1xf32, #tpu.memory_space<vmem>>) attributes {dimension_semantics = [#tpu.dimension_semantics<arbitrary>, #tpu.dimension_semantics<arbitrary>], iteration_bounds = array<i64: 16, 2>, scalar_prefetch = 0 : i64, scratch_operands = 3 : i64, tpu.core_type = #tpu.core_type<tc>, window_params = [{transform_indices = @transform_0, window_bounds = array<i64: 1, 64, 2048>}, {pipeline_mode = #tpu.pipeline_mode<synchronous>, transform_indices = @transform_1, window_bounds = array<i64: 1024, 64>}, {transform_indices = @transform_2, window_bounds = array<i64: 1, 1, 2048>}, {pipeline_mode = #tpu.pipeline_mode<synchronous>, transform_indices = @transform_3, window_bounds = array<i64: 1, 1>}, {pipeline_mode = #tpu.pipeline_mode<synchronous>, transform_indices = @transform_4, window_bounds = array<i64: 1, 1>}]} {
    %get3A = arith.constant 0 : index
    %get3A_0 = arith.constant 0 : index
    %get3A_1 = vector.load %arg3[%get3A, %get3A_0] : memref<1024x64xf32, #tpu.memory_space<vmem>>, vector<1024x64xf32>
    %eq3A = arith.constant 0 : i32
    %eq3A_2 = arith.cmpi eq, %arg0, %eq3A : i32
    %eq3A_3 = arith.constant 0 : i32
    %eq3A_4 = arith.cmpi eq, %arg1, %eq3A_3 : i32
    %and3A = arith.andi %eq3A_2, %eq3A_4 : i1
    %convert_element_type3A = arith.extui %and3A : i1 to i32
    %cond3A = arith.constant 0 : i32
    %cond3A_5 = arith.cmpi ne, %convert_element_type3A, %cond3A : i32
    scf.if %cond3A_5 {
      %broadcast_in_dim3A_64 = arith.constant 0.000000e+00 : f32
      %broadcast_in_dim3A_65 = vector.broadcast %broadcast_in_dim3A_64 : f32 to vector<1024x1xf32>
      %swap3A_66 = arith.constant 0 : index
      %swap3A_67 = arith.constant 0 : index
      %swap3A_68 = vector.load %arg7[%swap3A_66, %swap3A_67] : memref<1024x1xf32, #tpu.memory_space<vmem>>, vector<1024x1xf32>
      tpu.vector_store %arg7[%swap3A_66, %swap3A_67], %broadcast_in_dim3A_65 {strides = array<i32>} : memref<1024x1xf32, #tpu.memory_space<vmem>>, vector<1024x1xf32>,
      %broadcast_in_dim3A_69 = arith.constant 0.000000e+00 : f32
      %broadcast_in_dim3A_70 = vector.broadcast %broadcast_in_dim3A_69 : f32 to vector<1x1xf32>
      %swap3A_71 = arith.constant 0 : index
      %swap3A_72 = arith.constant 0 : index
      %swap3A_73 = vector.load %arg8[%swap3A_71, %swap3A_72] : memref<1x1xf32, #tpu.memory_space<vmem>>, vector<1x1xf32>
      tpu.vector_store %arg8[%swap3A_71, %swap3A_72], %broadcast_in_dim3A_70 {strides = array<i32>} : memref<1x1xf32, #tpu.memory_space<vmem>>, vector<1x1xf32>,
      %mul3A_74 = arith.mulf %get3A_1, %get3A_1 : vector<1024x64xf32>
      %reduce_sum3A_75 = arith.constant dense<0.000000e+00> : vector<1024xf32>
      %reduce_sum3A_76 = vector.multi_reduction <add>, %mul3A_74, %reduce_sum3A_75 [1] : vector<1024x64xf32> to vector<1024xf32>
      %broadcast_in_dim3A_77 = vector.shape_cast %reduce_sum3A_76 : vector<1024xf32> to vector<1024x1xf32>
      %swap3A_78 = arith.constant 0 : index
      %swap3A_79 = arith.constant 0 : index
      %swap3A_80 = vector.load %arg9[%swap3A_78, %swap3A_79] : memref<1024x1xf32, #tpu.memory_space<vmem>>, vector<1024x1xf32>
      tpu.vector_store %arg9[%swap3A_78, %swap3A_79], %broadcast_in_dim3A_77 {strides = array<i32>} : memref<1024x1xf32, #tpu.memory_space<vmem>>, vector<1024x1xf32>,
    } else {
    }
    %get3A_6 = arith.constant 0 : index
    %get3A_7 = arith.constant 0 : index
    %get3A_8 = arith.constant 0 : index
    %get3A_9 = vector.load %arg2[%get3A_6, %get3A_7, %get3A_8] : memref<1x64x2048xf32, #tpu.memory_space<vmem>>, vector<1x64x2048xf32>
    %get3A_10 = vector.shape_cast %get3A_9 : vector<1x64x2048xf32> to vector<64x2048xf32>
    %dot_general3A = arith.constant dense<0.000000e+00> : vector<1024x2048xf32>
    %dot_general3A_11 = tpu.matmul %get3A_1, %get3A_10, %dot_general3A {dimension_numbers = #tpu.dot_dimension_numbers<[1], [0], [0], [1], [0, 0, 1, 1], [], []>, transpose_lhs_hint = false} : vector<1024x64xf32>, vector<64x2048xf32>, vector<1024x2048xf32> -> vector<1024x2048xf32>
    %mul3A = arith.mulf %get3A_10, %get3A_10 : vector<64x2048xf32>
    %reduce_sum3A = arith.constant dense<0.000000e+00> : vector<2048xf32>
    %reduce_sum3A_12 = vector.multi_reduction <add>, %mul3A, %reduce_sum3A [0] : vector<64x2048xf32> to vector<2048xf32>
    %broadcast_in_dim3A = vector.shape_cast %reduce_sum3A_12 : vector<2048xf32> to vector<1x2048xf32>
    %get3A_13 = arith.constant 0 : index
    %get3A_14 = arith.constant 0 : index
    %get3A_15 = vector.load %arg9[%get3A_13, %get3A_14] : memref<1024x1xf32, #tpu.memory_space<vmem>>, vector<1024x1xf32>
    %add3A = vector.broadcast %broadcast_in_dim3A : vector<1x2048xf32> to vector<1024x2048xf32>
    %add3A_16 = vector.broadcast %get3A_15 : vector<1024x1xf32> to vector<1024x2048xf32>
    %add3A_17 = arith.addf %add3A, %add3A_16 : vector<1024x2048xf32>
    %mul3A_18 = arith.constant 2.000000e+00 : f32
    %mul3A_19 = vector.broadcast %mul3A_18 : f32 to vector<1024x2048xf32>
    %mul3A_20 = arith.mulf %mul3A_19, %dot_general3A_11 : vector<1024x2048xf32>
    %sub3A = arith.subf %add3A_17, %mul3A_20 : vector<1024x2048xf32>
    %reduce_min3A = arith.constant dense<0x7F800000> : vector<2048xf32>
    %reduce_min3A_21 = vector.multi_reduction <minimumf>, %sub3A, %reduce_min3A [0] : vector<1024x2048xf32> to vector<2048xf32>
    %broadcast_in_dim3A_22 = vector.shape_cast %reduce_min3A_21 : vector<2048xf32> to vector<1x2048xf32>
    %eq3A_23 = vector.broadcast %broadcast_in_dim3A_22 : vector<1x2048xf32> to vector<1024x2048xf32>
    %eq3A_24 = arith.cmpf oeq, %sub3A, %eq3A_23 : vector<1024x2048xf32>
    %convert_element_type3A_25 = arith.extui %eq3A_24 : vector<1024x2048xi1> to vector<1024x2048xi32>
    %convert_element_type3A_26 = arith.sitofp %convert_element_type3A_25 : vector<1024x2048xi32> to vector<1024x2048xf32>
    %iota3A = tpu.iota {dimensions = array<i32: 1>} : vector<1x1024xi32>
    %convert_element_type3A_27 = arith.sitofp %iota3A : vector<1x1024xi32> to vector<1x1024xf32>
    %dot_general3A_28 = arith.constant dense<0.000000e+00> : vector<1x2048xf32>
    %dot_general3A_29 = tpu.matmul %convert_element_type3A_27, %convert_element_type3A_26, %dot_general3A_28 {dimension_numbers = #tpu.dot_dimension_numbers<[1], [0], [0], [1], [0, 0, 1, 1], [], []>, precision = #tpu.contract_precision<fp32>, transpose_lhs_hint = false} : vector<1x1024xf32>, vector<1024x2048xf32>, vector<1x2048xf32> -> vector<1x2048xf32>
    %convert_element_type3A_30 = arith.fptosi %dot_general3A_29 : vector<1x2048xf32> to vector<1x2048xi32>
    %swap3A = arith.constant 0 : index
    %swap3A_31 = arith.constant 0 : index
    %swap3A_32 = arith.constant 0 : index
    %swap3A_33 = vector.load %arg4[%swap3A, %swap3A_31, %swap3A_32] : memref<1x1x2048xi32, #tpu.memory_space<vmem>>, vector<1x1x2048xi32>
    %swap3A_34 = vector.shape_cast %swap3A_33 : vector<1x1x2048xi32> to vector<1x2048xi32>
    %swap3A_35 = vector.shape_cast %convert_element_type3A_30 : vector<1x2048xi32> to vector<1x1x2048xi32>
    tpu.vector_store %arg4[%swap3A, %swap3A_31, %swap3A_32], %swap3A_35 {strides = array<i32>} : memref<1x1x2048xi32, #tpu.memory_space<vmem>>, vector<1x1x2048xi32>,
    %get3A_36 = arith.constant 0 : index
    %get3A_37 = arith.constant 0 : index
    %get3A_38 = vector.load %arg8[%get3A_36, %get3A_37] : memref<1x1xf32, #tpu.memory_space<vmem>>, vector<1x1xf32>
    %reduce_sum3A_39 = arith.constant dense<0.000000e+00> : vector<1xf32>
    %reduce_sum3A_40 = vector.multi_reduction <add>, %broadcast_in_dim3A_22, %reduce_sum3A_39 [1] : vector<1x2048xf32> to vector<1xf32>
    %broadcast_in_dim3A_41 = vector.shape_cast %reduce_sum3A_40 : vector<1xf32> to vector<1x1xf32>
    %add3A_42 = arith.addf %get3A_38, %broadcast_in_dim3A_41 : vector<1x1xf32>
    %swap3A_43 = arith.constant 0 : index
    %swap3A_44 = arith.constant 0 : index
    %swap3A_45 = vector.load %arg8[%swap3A_43, %swap3A_44] : memref<1x1xf32, #tpu.memory_space<vmem>>, vector<1x1xf32>
    tpu.vector_store %arg8[%swap3A_43, %swap3A_44], %add3A_42 {strides = array<i32>} : memref<1x1xf32, #tpu.memory_space<vmem>>, vector<1x1xf32>,
    %get3A_46 = arith.constant 0 : index
    %get3A_47 = arith.constant 0 : index
    %get3A_48 = vector.load %arg7[%get3A_46, %get3A_47] : memref<1024x1xf32, #tpu.memory_space<vmem>>, vector<1024x1xf32>
    %reduce_sum3A_49 = arith.constant dense<0.000000e+00> : vector<1024xf32>
    %reduce_sum3A_50 = vector.multi_reduction <add>, %convert_element_type3A_26, %reduce_sum3A_49 [1] : vector<1024x2048xf32> to vector<1024xf32>
    %broadcast_in_dim3A_51 = vector.shape_cast %reduce_sum3A_50 : vector<1024xf32> to vector<1024x1xf32>
    %add3A_52 = arith.addf %get3A_48, %broadcast_in_dim3A_51 : vector<1024x1xf32>
    %swap3A_53 = arith.constant 0 : index
    %swap3A_54 = arith.constant 0 : index
    %swap3A_55 = vector.load %arg7[%swap3A_53, %swap3A_54] : memref<1024x1xf32, #tpu.memory_space<vmem>>, vector<1024x1xf32>
    tpu.vector_store %arg7[%swap3A_53, %swap3A_54], %add3A_52 {strides = array<i32>} : memref<1024x1xf32, #tpu.memory_space<vmem>>, vector<1024x1xf32>,
    %eq3A_56 = arith.constant 15 : i32
    %eq3A_57 = arith.cmpi eq, %arg0, %eq3A_56 : i32
    %eq3A_58 = arith.constant 1 : i32
    %eq3A_59 = arith.cmpi eq, %arg1, %eq3A_58 : i32
    %and3A_60 = arith.andi %eq3A_57, %eq3A_59 : i1
    %convert_element_type3A_61 = arith.extui %and3A_60 : i1 to i32
    %cond3A_62 = arith.constant 0 : i32
    %cond3A_63 = arith.cmpi ne, %convert_element_type3A_61, %cond3A_62 : i32
    scf.if %cond3A_63 {
      %get3A_64 = arith.constant 0 : index
      %get3A_65 = arith.constant 0 : index
      %get3A_66 = vector.load %arg8[%get3A_64, %get3A_65] : memref<1x1xf32, #tpu.memory_space<vmem>>, vector<1x1xf32>
      %div3A = arith.constant 0x4A800000 : f32
      %div3A_67 = vector.broadcast %div3A : f32 to vector<1x1xf32>
      %div3A_68 = arith.divf %get3A_66, %div3A_67 : vector<1x1xf32>
      %swap3A_69 = arith.constant 0 : index
      %swap3A_70 = arith.constant 0 : index
      %swap3A_71 = vector.load %arg5[%swap3A_69, %swap3A_70] : memref<1x1xf32, #tpu.memory_space<vmem>>, vector<1x1xf32>
      tpu.vector_store %arg5[%swap3A_69, %swap3A_70], %div3A_68 {strides = array<i32>} : memref<1x1xf32, #tpu.memory_space<vmem>>, vector<1x1xf32>,
      %get3A_72 = arith.constant 0 : index
      %get3A_73 = arith.constant 0 : index
      %get3A_74 = vector.load %arg7[%get3A_72, %get3A_73] : memref<1024x1xf32, #tpu.memory_space<vmem>>, vector<1024x1xf32>
      %div3A_75 = arith.constant 6.553600e+04 : f32
      %div3A_76 = vector.broadcast %div3A_75 : f32 to vector<1024x1xf32>
      %div3A_77 = arith.divf %get3A_74, %div3A_76 : vector<1024x1xf32>
      %add3A_78 = arith.constant 1.000000e-10 : f32
      %add3A_79 = vector.broadcast %add3A_78 : f32 to vector<1024x1xf32>
      %add3A_80 = arith.addf %div3A_77, %add3A_79 : vector<1024x1xf32>
      %log3A = math.log %add3A_80 : vector<1024x1xf32>
      %mul3A_81 = arith.mulf %div3A_77, %log3A : vector<1024x1xf32>
      %reduce_sum3A_82 = arith.constant dense<0.000000e+00> : vector<1xf32>
      %reduce_sum3A_83 = vector.multi_reduction <add>, %mul3A_81, %reduce_sum3A_82 [0] : vector<1024x1xf32> to vector<1xf32>
      %broadcast_in_dim3A_84 = vector.shape_cast %reduce_sum3A_83 : vector<1xf32> to vector<1x1xf32>
      %neg3A = arith.constant 0.000000e+00 : f32
      %neg3A_85 = vector.broadcast %neg3A : f32 to vector<1x1xf32>
      %neg3A_86 = arith.subf %neg3A_85, %broadcast_in_dim3A_84 : vector<1x1xf32>
      %exp3A = math.exp %neg3A_86 : vector<1x1xf32>
      %swap3A_87 = arith.constant 0 : index
      %swap3A_88 = arith.constant 0 : index
      %swap3A_89 = vector.load %arg6[%swap3A_87, %swap3A_88] : memref<1x1xf32, #tpu.memory_space<vmem>>, vector<1x1xf32>
      tpu.vector_store %arg6[%swap3A_87, %swap3A_88], %exp3A {strides = array<i32>} : memref<1x1xf32, #tpu.memory_space<vmem>>, vector<1x1xf32>,
    } else {
    }
    return
  }
  func.func @transform_0(%arg0: i32, %arg1: i32) -> (i32, i32, i32) {
    %c0_i32 = arith.constant 0 : i32
    %c0_i32_0 = arith.constant 0 : i32
    return %arg0, %c0_i32, %arg1 : i32, i32, i32
  }
  func.func @transform_1(%arg0: i32, %arg1: i32) -> (i32, i32) {
    %c0_i32 = arith.constant 0 : i32
    %c0_i32_0 = arith.constant 0 : i32
    %c0_i32_1 = arith.constant 0 : i32
    return %c0_i32, %c0_i32_0 : i32, i32
  }
  func.func @transform_2(%arg0: i32, %arg1: i32) -> (i32, i32, i32) {
    %c0_i32 = arith.constant 0 : i32
    %c0_i32_0 = arith.constant 0 : i32
    return %arg0, %c0_i32, %arg1 : i32, i32, i32
  }
  func.func @transform_3(%arg0: i32, %arg1: i32) -> (i32, i32) {
    %c0_i32 = arith.constant 0 : i32
    %c0_i32_0 = arith.constant 0 : i32
    %c0_i32_1 = arith.constant 0 : i32
    return %c0_i32, %c0_i32_0 : i32, i32
  }
  func.func @transform_4(%arg0: i32, %arg1: i32) -> (i32, i32) {
    %c0_i32 = arith.constant 0 : i32
    %c0_i32_0 = arith.constant 0 : i32
    %c0_i32_1 = arith.constant 0 : i32
    return %c0_i32, %c0_i32_0 : i32, i32
  }
}

</mosaic_0001>

<sc_bundles>
// kernel: kernel.4.cloned.1.call-start
scs
__scs_entry_jumppad:
0x0: {  	(pc) =	sbr.rel $0x88, $3  }
0x1: {  	(tag) =	ssettag $0x0;
	lr =	simm.s32 $0x1  }
0x2: {  	[smem:$0x3F9F] =	sst lr;
	_ =	strace $0xD0000000  }
0x3: {  	_ = 	snop  }
0x4: {  	_ = 	snop  }
0x5: {  	_ = 	snop  }
0x6: {  	_ = 	snop  }
0x7: {  	_ = 	snop  }
__scs_overlays_trampoline_lowered:
0x8: {  	[smem:$0x3FAE] =	sst s0  }
0x9: {  	[smem:$0x3FAF] =	sst s1  }
0xa: {  	[smem:$0x3FB0] =	sst s2  }
0xb: {  	[smem:$0x3FB1] =	sst s3  }
0xc: {  	[smem:$0x3FB2] =	sst s4  }
0xd: {  	[smem:$0x3FB3] =	sst s5  }
0xe: {  	[smem:$0x3FB4] =	sst s6  }
0xf: {  	[smem:$0x3FB5] =	sst s7  }
0x10: {  	[smem:$0x3FB6] =	sst s8  }
0x11: {  	[smem:$0x3FB7] =	sst s9;
	s0 =	simm.s32 @!p0 $0x0  }
0x12: {  	s1 =	sld [smem:$0x3F9D];
	s0 =	simm.s32 @p0 $0x1  }
0x13: {  	[smem:$0x3FB8] =	sst s0;
	s0 =	simm.s32 @!p1 $0x0  }
0x14: {  	s2 =	sld [smem:$0x3F9C];
	s0 =	simm.s32 @p1 $0x1  }
0x15: {  	[smem:$0x3FB9] =	sst s0;
	s0 =	simm.s32 @!p2 $0x0  }
0x16: {  	s3 =	sld [smem:$0x3FDB];
	s0 =	simm.s32 @p2 $0x1  }
0x17: {  	s4 =	simm.s32 $0x1BF5;
	[smem:$0x3FBB] =	sst s0  }
0x18: {  	s0 =	sld [smem:$0x3F9E];
	_ =	swait.ge [sflag:s4], $0x0  }
0x19: {  	s7 =	sld [smem:$0x3F9F]  }
0x1a: {  	s8 =	sadd.s32 $0xFFFFE003, lr  }
0x1b: {  	s9 =	sadd.s32 $0xFFFFFEF7, lr;
	s5 =	simm.s32 $0xFFFFFFFF;
	p2 =	slt.u32 s8, $0xFFFFF086  }
0x1c: {  	p1 =	slt.u32 s9, $0xF7A;
	s5 =	simm.s32 @!p2 $0x0  }
0x1d: {  	s5 =	simm.s32 @p1 $0x1;
	p0 =	seq.s32 s7, s2  }
0x1e: {  	s7 =	smul.u32 @!p0 $0xF7A, s2;
	p2 =	seq.s32 @!p0 s5, $0x0  }
0x1f: {  	s9 =	smul.u32 $0xF7A, s1;
	s8 =	simm.s32 @!p0 $0x1BF5;
	p2 =	por !p2, p0  }
0x20: {  	[sflag:s8] =	ssyncset.s32 @!p0 $0xFFFFF086;
	s6 =	sadd.s32 @!p0 s3, s7;
	s7 =	simm.s32 @!p0 $0x108  }
0x21: {  	s3 =	sadd.s32 s3, s9;
	s6 =	sadd.s32 @!p0 $0x88, s6;
	s7 =	simm.s32 @p2 $0x1082  }
0x22: {  	[simem:s7], [sflag:s8] =	dma.local @!p0 [hbm:s6], $0xF7A  }
0x23: {  	s9 =	sor.u32 $0xD0000000, s2;
	s6 =	simm.s32 $0x108;
	_ =	swait.ge @!p0 [sflag:s8], $0x0  }
0x24: {  	s3 =	sadd.s32 $0x88, s3;
	s6 =	simm.s32 @!p1 $0x1082;
	[sflag:s4] =	ssyncset.s32 $0xFFFFF086  }
0x25: {  	[simem:s6], [sflag:s4] =	dma.local [hbm:s3], $0xF7A  }
0x26: {  	[smem:$0x3F9F] =	sst s1;
	(tag) =	ssettag s2;
	_ =	strace s9  }
0x27: {  	s1 =	sld [smem:$0x3FAF]  }
0x28: {  	s2 =	sld [smem:$0x3FB0]  }
0x29: {  	s4 =	sld [smem:$0x3FB2]  }
0x2a: {  	p0 =	seq.s32 s5, $0x0;
	s5 =	sld [smem:$0x3FB3]  }
0x2b: {  	s6 =	sld [smem:$0x3FB4]  }
0x2c: {  	s7 =	sld [smem:$0x3FB5]  }
0x2d: {  	s3 =	simm.s32 $0x108;
	s8 =	sld [smem:$0x3FB6]  }
0x2e: {  	s3 =	simm.s32 @!p0 $0x1082;
	s9 =	sld [smem:$0x3FB7]  }
0x2f: {  	lr =	sadd.s32 s0, s3;
	s0 =	sld [smem:$0x3FAE]  }
0x30: {  	s3 =	sld [smem:$0x3FB1]  }
0x31: {  	[smem:$0x3FBA] =	sst s10  }
0x32: {  	s10 =	sld [smem:$0x3FB8];
	_ =	sdelay $0x3  }
0x33: {  	p0 =	seq.s32 s10, $0x1;
	s10 =	sld [smem:$0x3FBA];
	_ =	sdelay $0x3  }
0x34: {  	[smem:$0x3FBA] =	sst s10  }
0x35: {  	s10 =	sld [smem:$0x3FB9];
	_ =	sdelay $0x3  }
0x36: {  	p1 =	seq.s32 s10, $0x1;
	s10 =	sld [smem:$0x3FBA];
	_ =	sdelay $0x3  }
0x37: {  	[smem:$0x3FBA] =	sst s10  }
0x38: {  	s10 =	sld [smem:$0x3FBB]  }
0x39: {  	_ = 	snop;
	(pc) =	sbr.ind lr, $3  }
0x3a: {  	_ = 	snop  }
0x3b: {  	_ = 	snop  }
0x3c: {  	p2 =	seq.s32 s10, $0x1;
	s10 =	sld [smem:$0x3FBA]  }
0x3d: {  	_ =	shalt  }
0x3e: {  	_ =	shalt  }
0x3f: {  	_ =	shalt  }
0x40: {  	_ =	shalt  }
0x41: {  	_ =	shalt  }
0x42: {  	_ =	shalt  }
0x43: {  	_ =	shalt  }
0x44: {  	_ =	shalt  }
0x45: {  	_ =	shalt  }
0x46: {  	_ =	shalt  }
0x47: {  	_ =	shalt  }
0x48: {  	_ =	shalt  }
0x49: {  	_ =	shalt  }
0x4a: {  	_ =	shalt  }
0x4b: {  	_ =	shalt  }
0x4c: {  	_ =	shalt  }
0x4d: {  	_ =	shalt  }
0x4e: {  	_ =	shalt  }
0x4f: {  	_ =	shalt  }
0x50: {  	_ =	shalt  }
0x51: {  	_ =	shalt  }
0x52: {  	_ =	shalt  }
0x53: {  	_ =	shalt  }
0x54: {  	_ =	shalt  }
0x55: {  	_ =	shalt  }
0x56: {  	_ =	shalt  }
0x57: {  	_ =	shalt  }
0x58: {  	_ =	shalt  }
0x59: {  	_ =	shalt  }
0x5a: {  	_ =	shalt  }
0x5b: {  	_ =	shalt  }
0x5c: {  	_ =	shalt  }
0x5d: {  	_ =	shalt  }
0x5e: {  	_ =	shalt  }
0x5f: {  	_ =	shalt  }
0x60: {  	_ =	shalt  }
0x61: {  	_ =	shalt  }
0x62: {  	_ =	shalt  }
0x63: {  	_ =	shalt  }
0x64: {  	_ =	shalt  }
0x65: {  	_ =	shalt  }
0x66: {  	_ =	shalt  }
0x67: {  	_ =	shalt  }
0x68: {  	_ =	shalt  }
0x69: {  	_ =	shalt  }
0x6a: {  	_ =	shalt  }
0x6b: {  	_ =	shalt  }
0x6c: {  	_ =	shalt  }
0x6d: {  	_ =	shalt  }
0x6e: {  	_ =	shalt  }
0x6f: {  	_ =	shalt  }
0x70: {  	_ =	shalt  }
0x71: {  	_ =	shalt  }
0x72: {  	_ =	shalt  }
0x73: {  	_ =	shalt  }
0x74: {  	_ =	shalt  }
0x75: {  	_ =	shalt  }
0x76: {  	_ =	shalt  }
0x77: {  	_ =	shalt  }
0x78: {  	_ =	shalt  }
0x79: {  	_ =	shalt  }
0x7a: {  	_ =	shalt  }
0x7b: {  	_ =	shalt  }
0x7c: {  	_ =	shalt  }
0x7d: {  	_ =	shalt  }
0x7e: {  	_ =	shalt  }
0x7f: {  	_ =	shalt  }
0x80: {  	_ =	shalt  }
0x81: {  	_ =	shalt  }
0x82: {  	_ =	shalt  }
0x83: {  	_ =	shalt  }
0x84: {  	_ =	shalt  }
0x85: {  	_ =	shalt  }
0x86: {  	_ =	shalt  }
0x87: {  	_ =	shalt  }
.Lfunc_end0:
.L_simem_size_0:
called_computation_lowered:
.L_overlay_start_0:
0x88: {  	s2 =	sld [smem:$0x3FD9]  }
0x89: {  	s3 =	sld [smem:$0x3FFE];
	_ =	sdelay $0x1  }
0x8a: {  	s1 =	srdreg.scid  }
0x8b: {  	s0 =	sand.u32 $0x1, s1  }
0x8c: {  	s14 =	sshll.u32 s0, $0xA;
	s2 =	sadd.s32 s3, s2  }
0x8d: {  	s2 =	sadd.s32 s2, s14  }
0x8e: {  	[smem:$0x3FC6] =	sst s2  }
0x8f: {  	_ = 	snop  }
0x90: {  	s2 =	sld [smem:$0x3FD0];
	_ =	sdelay $0x2  }
0x91: {  	s15 =	simm.s32 $0xA;
	s4 =	simm.s32 $0x10  }
0x92: {  	[smem:s4], [sflag:s15] =	dma.local [hbm:s2], $0x1  }
0x93: {  	_ =	swait.eq [sflag:s15], $0x1  }
0x94: {  	[sflag:s15] =	ssyncset.done $0x0  }
0x95: {  	[sflag:s15] =	ssyncadd.s32 $0xFFFFFFFF  }
0x96: {  	s16 =	sld [smem:$0x10];
	(tm) =	ssettm $0x1  }
0x97: {  	s17 =	sld [smem:$0x3FFB];
	_ =	sdelay $0x3  }
0x98: {  	_ =	strace s17  }
0x99: {  	s3 =	sld [smem:$0x3FFC];
	_ =	sdelay $0x3  }
0x9a: {  	_ =	strace s3  }
0x9b: {  	s3 =	sld [smem:$0x3FFD];
	_ =	sdelay $0x3  }
0x9c: {  	_ =	strace s3  }
0x9d: {  	_ =	strace $0x8FFFFFFF  }
0x9e: {  	s18 =	sld [smem:$0x3FDB];
	_ =	sdelay $0x1  }
0x9f: {  	s19 =	simm.s32 $_scs_section_size  }
0xa0: {  	s5 =	simm.s32 $_size__tile_overlayer_lowered;
	s6 =	simm.s32 $_tile_overlayer_lowered  }
0xa1: {  	s22 =	simm.s32 $0x1BFF;
	s21 =	sshll.u32 s6, $0x1;
	s3 =	sadd.s32 s19, s18  }
0xa2: {  	s7 =	simm.s32 $0x0;
	s20 =	sshll.u32 s5, $0x1;
	s5 =	sadd.s32 s21, s3  }
0xa3: {  	[timem:s7], [sflag:s22] =	dma.local [hbm:s5], s20  }
0xa4: {  	_ =	swait.ge [sflag:s22], s20  }
0xa5: {  	s4 =	ssub.s32 $0x0, s20;
	[sflag:s22] =	ssyncset.done $0x0  }
0xa6: {  	[sflag:s22] =	ssyncadd.s32 s4;
	_ =	sdelay $0x1  }
0xa7: {  	s23 =	simm.s32 $0x1B8B  }
0xa8: {  	_ =	swait.ge [sflag:s23], $0x1  }
0xa9: {  	[sflag:s23] =	ssyncset.done $0x0  }
0xaa: {  	s25 =	simm.s32 $0x1B8E;
	s24 =	sld [smem:$0x3FFE];
	[sflag:s23] =	ssyncadd.s32 $0xFFFFFFFF  }
0xab: {  	s26 =	simm.s32 $execute0_lowered;
	[smem:$0x3FD2] =	sst s25  }
0xac: {  	s5 =	sshll.u32 s26, $0x1;
	_ =	strace $0x80000046;
	[dreg:$0x1] =	wrdreg $0xFFFFFFFF  }
0xad: {  	s28 =	simm.s32 $_size_execute0_lowered;
	s3 =	sadd.s32 s3, s5;
	[dreg:$0x0] =	wrdreg $0x0  }
0xae: {  	s5 =	sshll.u32 s28, $0x1;
	[dreg:$0x2] =	wrdreg s3  }
0xaf: {  	[dreg:$0x3] =	wrdreg s5  }
0xb0: {  	[dreg:$0x4] =	wrdreg $0xC0  }
0xb1: {  	_ =	task [dreg:s7], $0x5FFFF  }
0xb2: {  	[dreg:$0x1] =	wrdreg $0xFFFFFFFF  }
0xb3: {  	[dreg:$0x0] =	wrdreg $0x60  }
0xb4: {  	[dreg:$0x2] =	wrdreg s24  }
0xb5: {  	[dreg:$0x3] =	wrdreg s16  }
0xb6: {  	[dreg:$0x4] =	wrdreg $0x9  }
0xb7: {  	_ =	task.clear_ibuf [dreg:s7], $0x5FFFF;
	_ =	strace $0x90000046  }
0xb8: {  	s29 =	simm.s32 $0x9;
	_ =	strace $0x80000048  }
0xb9: {  	_ =	swait.ge [sflag:s29], $0x1  }
0xba: {  	[sflag:s29] =	ssyncadd.s32 $0xFFFFFFFF  }
0xbb: {  	_ =	strace $0x90000048  }
0xbc: {  	_ =	sfence  }
0xbd: {  	s30 =	sld [smem:$0x0];
	_ =	sdelay $0x2  }
0xbe: {  	s31 =	sshll.u32 s1, $0xD;
	s1 =	sshrl.u32 s1, $0x2  }
0xbf: {  	s3 =	sand.u32 $0x4000, s31;
	s1 =	sadd.s32 s1, s30  }
0xc0: {  	s0 =	sor.u32 s3, s0;
	s1 =	sshll.u32 s1, $0x11  }
0xc1: {  	s0 =	sor.u32 s1, s0  }
0xc2: {  	s0 =	sadd.s32 $0x8F2B, s0  }
0xc3: {  	[sflag:s0] =	ssyncadd.remote.s32 $0x1  }
0xc4: {  	_ =	sfence.sel $0xFFFF  }
0xc5: {  	[dreg:$0x0] =	wrdreg $0xFFFFFFFF;
	(pc) =	sbr.abs _section_cstart, $3  }
0xc6: {  	[dreg:$0x1] =	wrdreg $0xFFFFFFFF  }
0xc7: {  	_ =	task.clear_ibuf [dreg:s7], $0x2FFFF;
	_ =	strace $0x9FFFFFFF  }
0xc8: {  	(tm) =	ssettm $0x7FFFFFFF  }
0xc9: {  	_ =	shalt  }
tec
execute0_lowered:
.L_overlay_start_1:
0x0: {  	(tag) =	ssettag $0x1  }
0x1: {  	s6 =	rddreg [dreg:$0x0]  }
0x2: {  	s0 =	srdreg.scid;
	s2 =	rddreg [dreg:$0x1];
	s4 =	simm.s32 $0x1  }
0x3: {  	s3 =	simm.s32 $0x0;
	s5 =	sand.u32 $0x1, s0;
	s0 =	stileid.u32  }
0x4: {  	s11 =	simm.s32 $0x400;
	s12 =	simm.s32 $0x9000;
	s1 =	sor.u32 s5, s0  }
0x5: {  	s13 =	simm.s32 $0x0;
	p1 =	seq.s32 s5, $0x1;
	p0 =	seq.s32 s1, $0x0  }
0x6: {  	[smem:$0x7FF] =	sst s3;
	s29 =	sshll.u32 s5, $0xC;
	p0 =	por !p0, !p1  }
0x7: {  	s10 =	ssub.s32 $0x2, s5;
	s31 =	sshll.u32 s5, $0x11;
	p0 =	por !p0, !p0  }
0x8: {  	s1 =	rddreg [dreg:$0x2];
	_ =	strace $0x80000047;
	s4 =	simm.s32 @!p0 $0x0  }
0x9: {  	s9 =	sadd.s32 s29, s6;
	s30 =	sshrl.u32 s10, $0x1;
	s7 =	ssub.s32 s0, s4  }
0xa: {  	s5 =	sadd.s32 $0xA00, s9;
	s9 =	simm.s32 $0x8000;
	s8 =	sshll.u32 s7, $0x9  }
0xb: {  	s4 =	simm.s32 $0x1;
	s7 =	sshll.u32 s7, $0x12;
	s8 =	sand.u32 $0x1FFFFE00, s8  }
0xc: {  	s7 =	sor.u32 s7, s31;
	s6 =	sadd.s32 s8, s6;
	s8 =	ssub.s32 s10, s30  }
0xd: {  	s10 =	simm.s32 $0x80;
	s6 =	sadd.s32 $0x2A00, s6;
	s8 =	smax.u32 s8, $0x1  }
.LBB2_1:
0xe: {  	[tilespmem:s3], [sflag:$0x1] =	stream.linear.gather [hbm4b:s5+s3], $0x8000, $0x38;
	[tilespmem:$0xA000] =	vst v63  }
0xf: {  	_ =	swait.ge [sflag:s4], $0x8000  }
0x10: {  	[sflag:s4] =	ssyncset.done $0x0  }
0x11: {  	[sflag:s4] =	ssyncadd.s32 $0xFFFF8000  }
0x12: {  	[tilespmem:s9], [sflag:$0x1] =	stream.linear.gather [hbm4b:s6+s3], $0x1000, $0x38;
	[tilespmem:$0xA000] =	vst v63  }
0x13: {  	_ =	swait.ge [sflag:s4], $0x1000  }
0x14: {  	[sflag:s4] =	ssyncset.done $0x0  }
0x15: {  	s14 =	simm.s32 $0x0;
	[sflag:s4] =	ssyncadd.s32 $0xFFFFF000  }
.LBB2_2:
0x16: {  	s15 =	sshll.u32 s14, $0xA  }
0x17: {  	s16 =	simm.s32 $0x8040;
	s17 =	simm.s32 $0x9040;
	v0 =	vmov s15;
	s15 =	simm.s32 $0xFFFFFFF8  }
.LBB2_3:
0x18: {  	v1 =	vld [tilespmem:s16+$0xFFFFFFC0];
	_ =	sdelay $0x4  }
0x19: {  	v1 =	vadd.s32 v0, v1;
	_ =	sdelay $0x4  }
0x1a: {  	v1 =	vld.idx.msk [tilespmem:v1+s3+$0x0], $0xffff;
	_ =	sdelay $0x4  }
0x1b: {  	[tilespmem:s17+$0xFFFFFFC0] =	vst v1  }
0x1c: {  	v1 =	vld [tilespmem:s16+$0xFFFFFFD0];
	_ =	sdelay $0x4  }
0x1d: {  	v1 =	vadd.s32 v0, v1;
	_ =	sdelay $0x4  }
0x1e: {  	v1 =	vld.idx.msk [tilespmem:v1+s3+$0x0], $0xffff;
	_ =	sdelay $0x4  }
0x1f: {  	[tilespmem:s17+$0xFFFFFFD0] =	vst v1  }
0x20: {  	v1 =	vld [tilespmem:s16+$0xFFFFFFE0];
	_ =	sdelay $0x4  }
0x21: {  	v1 =	vadd.s32 v0, v1;
	_ =	sdelay $0x4  }
0x22: {  	v1 =	vld.idx.msk [tilespmem:v1+s3+$0x0], $0xffff;
	_ =	sdelay $0x4  }
0x23: {  	[tilespmem:s17+$0xFFFFFFE0] =	vst v1  }
0x24: {  	v1 =	vld [tilespmem:s16+$0xFFFFFFF0];
	_ =	sdelay $0x4  }
0x25: {  	v1 =	vadd.s32 v0, v1;
	_ =	sdelay $0x4  }
0x26: {  	v1 =	vld.idx.msk [tilespmem:v1+s3+$0x0], $0xffff;
	_ =	sdelay $0x4  }
0x27: {  	[tilespmem:s17+$0xFFFFFFF0] =	vst v1  }
0x28: {  	v1 =	vld [tilespmem:s16+$0x0];
	_ =	sdelay $0x4  }
0x29: {  	v1 =	vadd.s32 v0, v1;
	_ =	sdelay $0x4  }
0x2a: {  	v1 =	vld.idx.msk [tilespmem:v1+s3+$0x0], $0xffff;
	_ =	sdelay $0x4  }
0x2b: {  	[tilespmem:s17+$0x0] =	vst v1  }
0x2c: {  	v1 =	vld [tilespmem:s16+$0x10];
	_ =	sdelay $0x4  }
0x2d: {  	v1 =	vadd.s32 v0, v1;
	_ =	sdelay $0x4  }
0x2e: {  	v1 =	vld.idx.msk [tilespmem:v1+s3+$0x0], $0xffff;
	_ =	sdelay $0x4  }
0x2f: {  	[tilespmem:s17+$0x10] =	vst v1  }
0x30: {  	v1 =	vld [tilespmem:s16+$0x20];
	_ =	sdelay $0x4  }
0x31: {  	v1 =	vadd.s32 v0, v1;
	_ =	sdelay $0x4  }
0x32: {  	v1 =	vld.idx.msk [tilespmem:v1+s3+$0x0], $0xffff;
	_ =	sdelay $0x4  }
0x33: {  	[tilespmem:s17+$0x20] =	vst v1  }
0x34: {  	v1 =	vld [tilespmem:s16+$0x30];
	_ =	sdelay $0x4  }
0x35: {  	v1 =	vadd.s32 v0, v1;
	_ =	sdelay $0x3  }
0x36: {  	s15 =	sadd.s32 $0x8, s15  }
0x37: {  	p0 =	slt.u32 s15, $0xF8;
	v1 =	vld.idx.msk [tilespmem:v1+s3+$0x0], $0xffff  }
.Ltmp0:
0x38: {  	_ = 	snop;
	(pc) =	sbr.rel @p0 .LBB2_3-.Ltmp0, $2  }
0x39: {  	_ =	sdelay $0x2  }
0x3a: {  	s16 =	sadd.s32 $0x80, s16;
	[tilespmem:s17+$0x30] =	vst v1;
	s17 =	sadd.s32 $0x80, s17  }
0x3b: {  	s15 =	sshll.u32 s14, $0xC  }
0x3c: {  	s16 =	sshll.u32 s14, $0x7;
	s15 =	sand.u32 $0x18000, s15  }
0x3d: {  	s16 =	sand.u32 $0x380, s16;
	s15 =	sor.u32 s7, s15  }
0x3e: {  	s14 =	sadd.s32 $0x1, s14;
	s15 =	sor.u32 s16, s15  }
0x3f: {  	p0 =	sne.s32 s14, $0x20;
	s15 =	sshrl.u32 s15, $0x3  }
.Ltmp1:
0x40: {  	s15 =	sadd.s32 s2, s15;
	(pc) =	sbr.rel @p0 .LBB2_2-.Ltmp1, $4  }
0x41: {  	[hbm4b:s15+s10] =	stream.strided.scatter [tilespmem:s12], [sflag:$0x1], $0x1000, s11, s10, $0x38;
	[tilespmem:$0xA000] =	vst v63  }
0x42: {  	_ =	swait.ge [sflag:s4], $0x1000  }
0x43: {  	[sflag:s4] =	ssyncset.done $0x0  }
0x44: {  	[sflag:s4] =	ssyncadd.s32 $0xFFFFF000  }
0x45: {  	s13 =	sadd.s32 $0x1, s13  }
0x46: {  	p0 =	sne.s32 s13, s8  }
.Ltmp2:
0x47: {  	_ = 	snop;
	(pc) =	sbr.rel @p0 .LBB2_1-.Ltmp2, $1  }
0x48: {  	_ =	sdelay $0x3  }
0x49: {  	_ =	sfence.sel $0x180000  }
0x4a: {  	[bflag:$0x0] =	sbarrier.arrive $0xFFFF  }
0x4b: {  	p0 =	sne.s32 s0, $0x0;
	_ =	strace $0x90000047  }
0x4c: {  	s0 =	sadd.s32 @!p0 $0x100000, s1;
	[bflag:$0x2] =	sbarrier.arrive $0xFFFF  }
0x4d: {  	[sflag:s0] =	ssyncadd.tile.s32 @!p0 $0x1;
	_ =	shalt  }
.Lfunc_end2:
_tile_overlayer_lowered:
.L_overlay_start_2:
0x4e: {  	(tag) =	ssettag $0x2  }
0x4f: {  	s0 =	rddreg [dreg:$0x0];
	s2 =	stileid.u32  }
0x50: {  	s1 =	rddreg [dreg:$0x1];
	p0 =	sne.s32 s2, $0x0  }
0x51: {  	s3 =	rddreg [dreg:$0x2];
	[bflag:$0x3] =	sbarrier.arrive $0xFFFF;
	s2 =	simm.s32 @!p0 $0x1C01  }
0x52: {  	[timem:s3], [sflag:s2] =	dma.local @!p0 [hbm:s0], s1  }
0x53: {  	s0 =	simm.s32 @!p0 $0x1  }
0x54: {  	_ =	swait.ge @!p0 [sflag:s0], s1  }
0x55: {  	s1 =	ssub.s32 @!p0 $0x0, s1;
	[sflag:s0] =	ssyncset.done @!p0 $0x0  }
0x56: {  	[sflag:s0] =	ssyncadd.s32 @!p0 s1  }
0x57: {  	[bflag:$0x3] =	sbarrier.arrive $0xFFFF  }
0x58: {  	_ =	shalt  }

</sc_bundles>
